<compile_context>
chip_gen: v7x
topology: tpu7x:2x2x1
jax: 0.10.2.dev20260603
libtpu: 0.0.44.dev20260713+nightly
codegen_flags: <defaults>
</compile_context>

<pallas_src>
import functools

import jax
import jax.numpy as jnp
from jax import lax
from jax.experimental import pallas as pl
from jax.experimental.pallas import tpu as pltpu
from jax.experimental.pallas import tpu_sc as plsc

_ROWS = 1024
_SEQ = 26
_SEQ_PAD = 32
_NCLS = 1000
_NWORKERS = 32
_SLICES_PER_W = _ROWS // _NWORKERS
_IDX_PER_W = _SLICES_PER_W * _SEQ_PAD


_NBUF = 3


def _sc_onehot(data_hbm, tmpl_hbm, rvals_hbm, out_hbm, idx_v, rvals_v,
               *bufs_and_sems):
    bufs = bufs_and_sems[:_NBUF]
    sems = bufs_and_sems[_NBUF:]
    wid = lax.axis_index("s") * 2 + lax.axis_index("c")
    base_slice = wid * _SLICES_PER_W

    pltpu.sync_copy(data_hbm.at[pl.ds(wid * _IDX_PER_W, _IDX_PER_W)], idx_v)
    pltpu.sync_copy(rvals_hbm.at[pl.ds(wid * _IDX_PER_W, _IDX_PER_W)], rvals_v)
    for buf in bufs:
        pltpu.sync_copy(tmpl_hbm, buf)

    riota = lax.iota(jnp.int32, 16)
    ones = jnp.full((16,), 1.0, jnp.float32)

    def poke(local_slice, buf):
        for g in range(2):
            cols = idx_v[pl.ds(local_slice * _SEQ_PAD + g * 16, 16)]
            rows = riota + g * 16
            mask = rows < _SEQ
            plsc.store_scatter(buf, [rows, cols], ones, mask=mask)

    def restore(local_slice, buf):
        for g in range(2):
            cols = idx_v[pl.ds(local_slice * _SEQ_PAD + g * 16, 16)]
            rows = riota + g * 16
            mask = rows < _SEQ
            vals = rvals_v[pl.ds(local_slice * _SEQ_PAD + g * 16, 16)]
            plsc.store_scatter(buf, [rows, cols], vals, mask=mask)

    def step(k, carry):
        for b in range(_NBUF):
            buf, sem = bufs[b], sems[b]
            i = _NBUF * k + b

            @pl.when(i < _SLICES_PER_W)
            def _do_slice():
                g = base_slice + i

                @pl.when(i >= _NBUF)
                def _wait_and_restore():
                    pltpu.make_async_copy(buf, out_hbm.at[g - _NBUF], sem).wait()
                    restore(i - _NBUF, buf)

                poke(i, buf)
                pltpu.async_copy(buf, out_hbm.at[g], sem)
        return carry

    n_iters = (_SLICES_PER_W + _NBUF - 1) // _NBUF
    lax.fori_loop(0, n_iters, step, 0)

    for i_last in range(_SLICES_PER_W - _NBUF, _SLICES_PER_W):
        b = i_last % _NBUF
        pltpu.make_async_copy(
            bufs[b], out_hbm.at[base_slice + i_last], sems[b]).wait()


@jax.jit
def _run(data_pad, tmpl, rvals):
    mesh = plsc.VectorSubcoreMesh(core_axis_name="c", subcore_axis_name="s")
    return pl.kernel(
        _sc_onehot,
        mesh=mesh,
        out_type=jax.ShapeDtypeStruct((_ROWS, _SEQ, _NCLS), jnp.float32),
        scratch_types=[
            pltpu.VMEM((_IDX_PER_W,), jnp.int32),
            pltpu.VMEM((_IDX_PER_W,), jnp.float32),
        ] + [pltpu.VMEM((_SEQ, _NCLS), jnp.float32)] * _NBUF
          + [pltpu.SemaphoreType.DMA] * _NBUF,
        compiler_params=pltpu.CompilerParams(
            needs_layout_passes=False, skip_device_barrier=True),
    )(data_pad, tmpl, rvals)


def kernel(input, one_hot):
    data_pad = jnp.pad(input.astype(jnp.int32), ((0, 0), (0, _SEQ_PAD - _SEQ)))
    tmpl = jnp.tile(one_hot.astype(jnp.float32), (_SEQ, 1))
    flat = data_pad.reshape(-1)
    rvals = jnp.take(one_hot.astype(jnp.float32)[0], flat)
    return _run(flat, tmpl, rvals)

# --- scband reference (transcript-rebuilt; emitter-appended) ---
"""Pipeline reference for scband-one-hot-59416577573291 (READ-ONLY COPY).

The authoritative reference and input builder live on the scoring server;
editing this copy changes nothing except your own understanding.
"""

import jax, jax.numpy as jnp
import numpy as np

NUM_CLASSES = 1000


def setup_inputs(seed: int = 0) -> dict:
    key = jax.random.key(seed)
    inp = jax.random.randint(key, (1024, 26), 0, NUM_CLASSES)
    # registered buffer: zero-initialized [1, num_classes]
    one_hot = jnp.zeros((1, NUM_CLASSES), dtype=jnp.float32)
    return {"input": inp, "one_hot": one_hot}


def reference(input, one_hot):
    original_size = input.shape
    data = input.reshape(-1)
    n = data.shape[0]
    # tmp_ = self.one_hot.repeat(N, 1)
    tmp = jnp.tile(one_hot, (n, 1))
    # tmp_.scatter_(1, data, 1): overwrite-scatter of ones at the index positions
    tmp = tmp.at[jnp.arange(n), data].set(1.0)
    # view back to original shape + (num_classes,)
    out = tmp.reshape(original_size + (one_hot.shape[-1],))
    return out

if __name__ == "__main__":
    import jax
    _d = setup_inputs()
    print(jax.jit(kernel)(*tuple(_d.values())))

</pallas_src>

<mosaic_0001>
#map = affine_map<(d0, d1) -> (0)>
#map1 = affine_map<(d0, d1) -> (0, 0)>
#map2 = affine_map<(d0, d1) -> (0, 0, 0)>
module attributes {stable_mosaic.version = 14 : i64} {
  func.func @_sc_onehot(%arg0: i32, %arg1: i32, %arg2: memref<32768xi32, #tpu.memory_space<hbm>>, %arg3: memref<26x1000xf32, #tpu.memory_space<hbm>>, %arg4: memref<32768xf32, #tpu.memory_space<hbm>>, %arg5: memref<1024x26x1000xf32, #tpu.memory_space<hbm>>, %arg6: memref<1024xi32, #tpu.memory_space<vmem>>, %arg7: memref<1024xf32, #tpu.memory_space<vmem>>, %arg8: memref<26x1000xf32, #tpu.memory_space<vmem>>, %arg9: memref<26x1000xf32, #tpu.memory_space<vmem>>, %arg10: memref<26x1000xf32, #tpu.memory_space<vmem>>, %arg11: memref<!tpu.dma_semaphore, #tpu.memory_space<semaphore_mem>>, %arg12: memref<!tpu.dma_semaphore, #tpu.memory_space<semaphore_mem>>, %arg13: memref<!tpu.dma_semaphore, #tpu.memory_space<semaphore_mem>>) attributes {dimension_semantics = [#tpu.dimension_semantics<core_parallel>, #tpu.dimension_semantics<subcore_parallel>], iteration_bounds = array<i64: 2, 16>, scalar_prefetch = 0 : i64, scratch_operands = 8 : i64, tpu.core_type = #tpu.core_type<sc_vector_subcore>, window_params = [{transform_indices = #map}, {transform_indices = #map1}, {transform_indices = #map}, {transform_indices = #map2}]} {
    %mul3A = arith.constant 2 : i32
    %mul3A_0 = arith.muli %arg1, %mul3A : i32
    %add3A = arith.addi %mul3A_0, %arg0 : i32
    %mul3A_1 = arith.constant 32 : i32
    %mul3A_2 = arith.muli %add3A, %mul3A_1 : i32
    %mul3A_3 = arith.constant 1024 : i32
    %mul3A_4 = arith.muli %add3A, %mul3A_3 : i32
    "tpu.region"() ({
      %run_scoped3A = tpu.sem_alloc : memref<!tpu.dma_semaphore, #tpu.memory_space<semaphore_mem>>
      %dma_start3A = tpu.memref_slice %arg2[%mul3A_4] : memref<32768xi32, #tpu.memory_space<hbm>> -> memref<1024xi32, #tpu.memory_space<hbm>>
      %dma_start3A_42 = tpu.memref_slice %arg2[%mul3A_4] : memref<32768xi32, #tpu.memory_space<hbm>> -> memref<1024xi32, #tpu.memory_space<hbm>>
      tpu.enqueue_dma source(%dma_start3A_42 : memref<1024xi32, #tpu.memory_space<hbm>>) target(%arg6 : memref<1024xi32, #tpu.memory_space<vmem>>) target_semaphore(%run_scoped3A : memref<!tpu.dma_semaphore, #tpu.memory_space<semaphore_mem>>)
      %dma_wait3A_43 = tpu.memref_slice %arg2[%mul3A_4] : memref<32768xi32, #tpu.memory_space<hbm>> -> memref<1024xi32, #tpu.memory_space<hbm>>
      %dma_wait3A_44 = tpu.memref_slice %arg2[%mul3A_4] : memref<32768xi32, #tpu.memory_space<hbm>> -> memref<1024xi32, #tpu.memory_space<hbm>>
      tpu.wait_dma2 semaphore(%run_scoped3A : memref<!tpu.dma_semaphore, #tpu.memory_space<semaphore_mem>>) src(%dma_wait3A_44 : memref<1024xi32, #tpu.memory_space<hbm>>) dst(%arg6 : memref<1024xi32, #tpu.memory_space<vmem>>)
      tpu.yield
    }) : () -> ()
    %mul3A_5 = arith.constant 1024 : i32
    %mul3A_6 = arith.muli %add3A, %mul3A_5 : i32
    "tpu.region"() ({
      %run_scoped3A = tpu.sem_alloc : memref<!tpu.dma_semaphore, #tpu.memory_space<semaphore_mem>>
      %dma_start3A = tpu.memref_slice %arg4[%mul3A_6] : memref<32768xf32, #tpu.memory_space<hbm>> -> memref<1024xf32, #tpu.memory_space<hbm>>
      %dma_start3A_42 = tpu.memref_slice %arg4[%mul3A_6] : memref<32768xf32, #tpu.memory_space<hbm>> -> memref<1024xf32, #tpu.memory_space<hbm>>
      tpu.enqueue_dma source(%dma_start3A_42 : memref<1024xf32, #tpu.memory_space<hbm>>) target(%arg7 : memref<1024xf32, #tpu.memory_space<vmem>>) target_semaphore(%run_scoped3A : memref<!tpu.dma_semaphore, #tpu.memory_space<semaphore_mem>>)
      %dma_wait3A_43 = tpu.memref_slice %arg4[%mul3A_6] : memref<32768xf32, #tpu.memory_space<hbm>> -> memref<1024xf32, #tpu.memory_space<hbm>>
      %dma_wait3A_44 = tpu.memref_slice %arg4[%mul3A_6] : memref<32768xf32, #tpu.memory_space<hbm>> -> memref<1024xf32, #tpu.memory_space<hbm>>
      tpu.wait_dma2 semaphore(%run_scoped3A : memref<!tpu.dma_semaphore, #tpu.memory_space<semaphore_mem>>) src(%dma_wait3A_44 : memref<1024xf32, #tpu.memory_space<hbm>>) dst(%arg7 : memref<1024xf32, #tpu.memory_space<vmem>>)
      tpu.yield
    }) : () -> ()
    "tpu.region"() ({
      %run_scoped3A = tpu.sem_alloc : memref<!tpu.dma_semaphore, #tpu.memory_space<semaphore_mem>>
      tpu.enqueue_dma source(%arg3 : memref<26x1000xf32, #tpu.memory_space<hbm>>) target(%arg8 : memref<26x1000xf32, #tpu.memory_space<vmem>>) target_semaphore(%run_scoped3A : memref<!tpu.dma_semaphore, #tpu.memory_space<semaphore_mem>>)
      tpu.wait_dma2 semaphore(%run_scoped3A : memref<!tpu.dma_semaphore, #tpu.memory_space<semaphore_mem>>) src(%arg3 : memref<26x1000xf32, #tpu.memory_space<hbm>>) dst(%arg8 : memref<26x1000xf32, #tpu.memory_space<vmem>>)
      tpu.yield
    }) : () -> ()
    "tpu.region"() ({
      %run_scoped3A = tpu.sem_alloc : memref<!tpu.dma_semaphore, #tpu.memory_space<semaphore_mem>>
      tpu.enqueue_dma source(%arg3 : memref<26x1000xf32, #tpu.memory_space<hbm>>) target(%arg9 : memref<26x1000xf32, #tpu.memory_space<vmem>>) target_semaphore(%run_scoped3A : memref<!tpu.dma_semaphore, #tpu.memory_space<semaphore_mem>>)
      tpu.wait_dma2 semaphore(%run_scoped3A : memref<!tpu.dma_semaphore, #tpu.memory_space<semaphore_mem>>) src(%arg3 : memref<26x1000xf32, #tpu.memory_space<hbm>>) dst(%arg9 : memref<26x1000xf32, #tpu.memory_space<vmem>>)
      tpu.yield
    }) : () -> ()
    "tpu.region"() ({
      %run_scoped3A = tpu.sem_alloc : memref<!tpu.dma_semaphore, #tpu.memory_space<semaphore_mem>>
      tpu.enqueue_dma source(%arg3 : memref<26x1000xf32, #tpu.memory_space<hbm>>) target(%arg10 : memref<26x1000xf32, #tpu.memory_space<vmem>>) target_semaphore(%run_scoped3A : memref<!tpu.dma_semaphore, #tpu.memory_space<semaphore_mem>>)
      tpu.wait_dma2 semaphore(%run_scoped3A : memref<!tpu.dma_semaphore, #tpu.memory_space<semaphore_mem>>) src(%arg3 : memref<26x1000xf32, #tpu.memory_space<hbm>>) dst(%arg10 : memref<26x1000xf32, #tpu.memory_space<vmem>>)
      tpu.yield
    }) : () -> ()
    %iota3A = tpu.iota {dimensions = array<i32: 0>} : vector<16xi32>
    %broadcast_in_dim3A = arith.constant 1.000000e+00 : f32
    %broadcast_in_dim3A_7 = vector.broadcast %broadcast_in_dim3A : f32 to vector<16xf32>
    %scan3A = arith.constant 0 : i32
    %scan3A_8 = arith.constant 0 : i32
    %scan3A_9 = arith.constant 11 : i32
    %scan3A_10 = arith.addi %scan3A_8, %scan3A_9 : i32
    %scan3A_11 = arith.constant 1 : i32
    scf.for %scan3A_42 = %scan3A_8 to %scan3A_10 step %scan3A_11  : i32 {
      %mul3A_43 = arith.constant 3 : i32
      %mul3A_44 = arith.muli %mul3A_43, %scan3A_42 : i32
      %add3A_45 = arith.constant 0 : i32
      %add3A_46 = arith.addi %mul3A_44, %add3A_45 : i32
      %lt3A = arith.constant 32 : i32
      %lt3A_47 = arith.cmpi slt, %add3A_46, %lt3A : i32
      %convert_element_type3A = arith.extui %lt3A_47 : i1 to i32
      %cond3A = arith.constant 0 : i32
      %cond3A_48 = arith.cmpi ne, %convert_element_type3A, %cond3A : i32
      scf.if %cond3A_48 {
        %add3A_67 = arith.addi %mul3A_2, %add3A_46 : i32
        %ge3A = arith.constant 3 : i32
        %ge3A_68 = arith.cmpi sge, %add3A_46, %ge3A : i32
        %convert_element_type3A_69 = arith.extui %ge3A_68 : i1 to i32
        %cond3A_70 = arith.constant 0 : i32
        %cond3A_71 = arith.cmpi ne, %convert_element_type3A_69, %cond3A_70 : i32
        scf.if %cond3A_71 {
          %sub3A = arith.constant 3 : i32
          %sub3A_102 = arith.subi %add3A_67, %sub3A : i32
          %dma_wait3A_103 = arith.constant 0 : i32
          %dma_wait3A_104 = arith.constant 0 : i32
          %dma_wait3A_105 = tpu.memref_slice %arg5[%sub3A_102, %dma_wait3A_103, %dma_wait3A_104] : memref<1024x26x1000xf32, #tpu.memory_space<hbm>> -> memref<1x26x1000xf32, #tpu.memory_space<hbm>>
          %dma_wait3A_106 = tpu.memref_squeeze %dma_wait3A_105 : memref<1x26x1000xf32, #tpu.memory_space<hbm>> -> memref<26x1000xf32, #tpu.memory_space<hbm>>
          %dma_wait3A_107 = arith.constant 0 : i32
          %dma_wait3A_108 = arith.constant 0 : i32
          %dma_wait3A_109 = tpu.memref_slice %arg5[%sub3A_102, %dma_wait3A_107, %dma_wait3A_108] : memref<1024x26x1000xf32, #tpu.memory_space<hbm>> -> memref<1x26x1000xf32, #tpu.memory_space<hbm>>
          %dma_wait3A_110 = tpu.memref_squeeze %dma_wait3A_109 : memref<1x26x1000xf32, #tpu.memory_space<hbm>> -> memref<26x1000xf32, #tpu.memory_space<hbm>>
          tpu.wait_dma2 semaphore(%arg11 : memref<!tpu.dma_semaphore, #tpu.memory_space<semaphore_mem>>) src(%arg8 : memref<26x1000xf32, #tpu.memory_space<vmem>>) dst(%dma_wait3A_110 : memref<26x1000xf32, #tpu.memory_space<hbm>>)
          %sub3A_111 = arith.constant 3 : i32
          %sub3A_112 = arith.subi %add3A_46, %sub3A_111 : i32
          %mul3A_113 = arith.constant 32 : i32
          %mul3A_114 = arith.muli %sub3A_112, %mul3A_113 : i32
          %add3A_115 = arith.constant 0 : i32
          %add3A_116 = arith.addi %mul3A_114, %add3A_115 : i32
          %get3A_117 = arith.index_cast %add3A_116 : i32 to index
          %get3A_118 = tpu.vector_load %arg6[%get3A_117] {strides = array<i32>} : memref<1024xi32, #tpu.memory_space<vmem>>, vector<16xi32>,
          %add3A_119 = arith.constant 0 : i32
          %add3A_120 = vector.broadcast %add3A_119 : i32 to vector<16xi32>
          %add3A_121 = arith.addi %iota3A, %add3A_120 : vector<16xi32>
          %lt3A_122 = arith.constant 26 : i32
          %lt3A_123 = vector.broadcast %lt3A_122 : i32 to vector<16xi32>
          %lt3A_124 = arith.cmpi slt, %add3A_121, %lt3A_123 : vector<16xi32>
          %mul3A_125 = arith.constant 32 : i32
          %mul3A_126 = arith.muli %sub3A_112, %mul3A_125 : i32
          %add3A_127 = arith.constant 0 : i32
          %add3A_128 = arith.addi %mul3A_126, %add3A_127 : i32
          %get3A_129 = arith.index_cast %add3A_128 : i32 to index
          %get3A_130 = tpu.vector_load %arg7[%get3A_129] {strides = array<i32>} : memref<1024xf32, #tpu.memory_space<vmem>>, vector<16xf32>,
          tpu.vector_store_idx %arg8[%add3A_121, %get3A_118], %get3A_130 masked %lt3A_124 : memref<26x1000xf32, #tpu.memory_space<vmem>>[vector<16xi32>, vector<16xi32>], vector<16xf32>, vector<16xi1>
          %mul3A_131 = arith.constant 32 : i32
          %mul3A_132 = arith.muli %sub3A_112, %mul3A_131 : i32
          %add3A_133 = arith.constant 16 : i32
          %add3A_134 = arith.addi %mul3A_132, %add3A_133 : i32
          %get3A_135 = arith.index_cast %add3A_134 : i32 to index
          %get3A_136 = tpu.vector_load %arg6[%get3A_135] {strides = array<i32>} : memref<1024xi32, #tpu.memory_space<vmem>>, vector<16xi32>,
          %add3A_137 = arith.constant 16 : i32
          %add3A_138 = vector.broadcast %add3A_137 : i32 to vector<16xi32>
          %add3A_139 = arith.addi %iota3A, %add3A_138 : vector<16xi32>
          %lt3A_140 = arith.constant 26 : i32
          %lt3A_141 = vector.broadcast %lt3A_140 : i32 to vector<16xi32>
          %lt3A_142 = arith.cmpi slt, %add3A_139, %lt3A_141 : vector<16xi32>
          %mul3A_143 = arith.constant 32 : i32
          %mul3A_144 = arith.muli %sub3A_112, %mul3A_143 : i32
          %add3A_145 = arith.constant 16 : i32
          %add3A_146 = arith.addi %mul3A_144, %add3A_145 : i32
          %get3A_147 = arith.index_cast %add3A_146 : i32 to index
          %get3A_148 = tpu.vector_load %arg7[%get3A_147] {strides = array<i32>} : memref<1024xf32, #tpu.memory_space<vmem>>, vector<16xf32>,
          tpu.vector_store_idx %arg8[%add3A_139, %get3A_136], %get3A_148 masked %lt3A_142 : memref<26x1000xf32, #tpu.memory_space<vmem>>[vector<16xi32>, vector<16xi32>], vector<16xf32>, vector<16xi1>
        } else {
        }
        %mul3A_72 = arith.constant 32 : i32
        %mul3A_73 = arith.muli %add3A_46, %mul3A_72 : i32
        %add3A_74 = arith.constant 0 : i32
        %add3A_75 = arith.addi %mul3A_73, %add3A_74 : i32
        %get3A = arith.index_cast %add3A_75 : i32 to index
        %get3A_76 = tpu.vector_load %arg6[%get3A] {strides = array<i32>} : memref<1024xi32, #tpu.memory_space<vmem>>, vector<16xi32>,
        %add3A_77 = arith.constant 0 : i32
        %add3A_78 = vector.broadcast %add3A_77 : i32 to vector<16xi32>
        %add3A_79 = arith.addi %iota3A, %add3A_78 : vector<16xi32>
        %lt3A_80 = arith.constant 26 : i32
        %lt3A_81 = vector.broadcast %lt3A_80 : i32 to vector<16xi32>
        %lt3A_82 = arith.cmpi slt, %add3A_79, %lt3A_81 : vector<16xi32>
        tpu.vector_store_idx %arg8[%add3A_79, %get3A_76], %broadcast_in_dim3A_7 masked %lt3A_82 : memref<26x1000xf32, #tpu.memory_space<vmem>>[vector<16xi32>, vector<16xi32>], vector<16xf32>, vector<16xi1>
        %mul3A_83 = arith.constant 32 : i32
        %mul3A_84 = arith.muli %add3A_46, %mul3A_83 : i32
        %add3A_85 = arith.constant 16 : i32
        %add3A_86 = arith.addi %mul3A_84, %add3A_85 : i32
        %get3A_87 = arith.index_cast %add3A_86 : i32 to index
        %get3A_88 = tpu.vector_load %arg6[%get3A_87] {strides = array<i32>} : memref<1024xi32, #tpu.memory_space<vmem>>, vector<16xi32>,
        %add3A_89 = arith.constant 16 : i32
        %add3A_90 = vector.broadcast %add3A_89 : i32 to vector<16xi32>
        %add3A_91 = arith.addi %iota3A, %add3A_90 : vector<16xi32>
        %lt3A_92 = arith.constant 26 : i32
        %lt3A_93 = vector.broadcast %lt3A_92 : i32 to vector<16xi32>
        %lt3A_94 = arith.cmpi slt, %add3A_91, %lt3A_93 : vector<16xi32>
        tpu.vector_store_idx %arg8[%add3A_91, %get3A_88], %broadcast_in_dim3A_7 masked %lt3A_94 : memref<26x1000xf32, #tpu.memory_space<vmem>>[vector<16xi32>, vector<16xi32>], vector<16xf32>, vector<16xi1>
        %dma_start3A = arith.constant 0 : i32
        %dma_start3A_95 = arith.constant 0 : i32
        %dma_start3A_96 = tpu.memref_slice %arg5[%add3A_67, %dma_start3A, %dma_start3A_95] : memref<1024x26x1000xf32, #tpu.memory_space<hbm>> -> memref<1x26x1000xf32, #tpu.memory_space<hbm>>
        %dma_start3A_97 = tpu.memref_squeeze %dma_start3A_96 : memref<1x26x1000xf32, #tpu.memory_space<hbm>> -> memref<26x1000xf32, #tpu.memory_space<hbm>>
        %dma_start3A_98 = arith.constant 0 : i32
        %dma_start3A_99 = arith.constant 0 : i32
        %dma_start3A_100 = tpu.memref_slice %arg5[%add3A_67, %dma_start3A_98, %dma_start3A_99] : memref<1024x26x1000xf32, #tpu.memory_space<hbm>> -> memref<1x26x1000xf32, #tpu.memory_space<hbm>>
        %dma_start3A_101 = tpu.memref_squeeze %dma_start3A_100 : memref<1x26x1000xf32, #tpu.memory_space<hbm>> -> memref<26x1000xf32, #tpu.memory_space<hbm>>
        tpu.enqueue_dma source(%arg8 : memref<26x1000xf32, #tpu.memory_space<vmem>>) target(%dma_start3A_101 : memref<26x1000xf32, #tpu.memory_space<hbm>>) target_semaphore(%arg11 : memref<!tpu.dma_semaphore, #tpu.memory_space<semaphore_mem>>)
      } else {
      }
      %mul3A_49 = arith.constant 3 : i32
      %mul3A_50 = arith.muli %mul3A_49, %scan3A_42 : i32
      %add3A_51 = arith.constant 1 : i32
      %add3A_52 = arith.addi %mul3A_50, %add3A_51 : i32
      %lt3A_53 = arith.constant 32 : i32
      %lt3A_54 = arith.cmpi slt, %add3A_52, %lt3A_53 : i32
      %convert_element_type3A_55 = arith.extui %lt3A_54 : i1 to i32
      %cond3A_56 = arith.constant 0 : i32
      %cond3A_57 = arith.cmpi ne, %convert_element_type3A_55, %cond3A_56 : i32
      scf.if %cond3A_57 {
        %add3A_67 = arith.addi %mul3A_2, %add3A_52 : i32
        %ge3A = arith.constant 3 : i32
        %ge3A_68 = arith.cmpi sge, %add3A_52, %ge3A : i32
        %convert_element_type3A_69 = arith.extui %ge3A_68 : i1 to i32
        %cond3A_70 = arith.constant 0 : i32
        %cond3A_71 = arith.cmpi ne, %convert_element_type3A_69, %cond3A_70 : i32
        scf.if %cond3A_71 {
          %sub3A = arith.constant 3 : i32
          %sub3A_102 = arith.subi %add3A_67, %sub3A : i32
          %dma_wait3A_103 = arith.constant 0 : i32
          %dma_wait3A_104 = arith.constant 0 : i32
          %dma_wait3A_105 = tpu.memref_slice %arg5[%sub3A_102, %dma_wait3A_103, %dma_wait3A_104] : memref<1024x26x1000xf32, #tpu.memory_space<hbm>> -> memref<1x26x1000xf32, #tpu.memory_space<hbm>>
          %dma_wait3A_106 = tpu.memref_squeeze %dma_wait3A_105 : memref<1x26x1000xf32, #tpu.memory_space<hbm>> -> memref<26x1000xf32, #tpu.memory_space<hbm>>
          %dma_wait3A_107 = arith.constant 0 : i32
          %dma_wait3A_108 = arith.constant 0 : i32
          %dma_wait3A_109 = tpu.memref_slice %arg5[%sub3A_102, %dma_wait3A_107, %dma_wait3A_108] : memref<1024x26x1000xf32, #tpu.memory_space<hbm>> -> memref<1x26x1000xf32, #tpu.memory_space<hbm>>
          %dma_wait3A_110 = tpu.memref_squeeze %dma_wait3A_109 : memref<1x26x1000xf32, #tpu.memory_space<hbm>> -> memref<26x1000xf32, #tpu.memory_space<hbm>>
          tpu.wait_dma2 semaphore(%arg12 : memref<!tpu.dma_semaphore, #tpu.memory_space<semaphore_mem>>) src(%arg9 : memref<26x1000xf32, #tpu.memory_space<vmem>>) dst(%dma_wait3A_110 : memref<26x1000xf32, #tpu.memory_space<hbm>>)
          %sub3A_111 = arith.constant 3 : i32
          %sub3A_112 = arith.subi %add3A_52, %sub3A_111 : i32
          %mul3A_113 = arith.constant 32 : i32
          %mul3A_114 = arith.muli %sub3A_112, %mul3A_113 : i32
          %add3A_115 = arith.constant 0 : i32
          %add3A_116 = arith.addi %mul3A_114, %add3A_115 : i32
          %get3A_117 = arith.index_cast %add3A_116 : i32 to index
          %get3A_118 = tpu.vector_load %arg6[%get3A_117] {strides = array<i32>} : memref<1024xi32, #tpu.memory_space<vmem>>, vector<16xi32>,
          %add3A_119 = arith.constant 0 : i32
          %add3A_120 = vector.broadcast %add3A_119 : i32 to vector<16xi32>
          %add3A_121 = arith.addi %iota3A, %add3A_120 : vector<16xi32>
          %lt3A_122 = arith.constant 26 : i32
          %lt3A_123 = vector.broadcast %lt3A_122 : i32 to vector<16xi32>
          %lt3A_124 = arith.cmpi slt, %add3A_121, %lt3A_123 : vector<16xi32>
          %mul3A_125 = arith.constant 32 : i32
          %mul3A_126 = arith.muli %sub3A_112, %mul3A_125 : i32
          %add3A_127 = arith.constant 0 : i32
          %add3A_128 = arith.addi %mul3A_126, %add3A_127 : i32
          %get3A_129 = arith.index_cast %add3A_128 : i32 to index
          %get3A_130 = tpu.vector_load %arg7[%get3A_129] {strides = array<i32>} : memref<1024xf32, #tpu.memory_space<vmem>>, vector<16xf32>,
          tpu.vector_store_idx %arg9[%add3A_121, %get3A_118], %get3A_130 masked %lt3A_124 : memref<26x1000xf32, #tpu.memory_space<vmem>>[vector<16xi32>, vector<16xi32>], vector<16xf32>, vector<16xi1>
          %mul3A_131 = arith.constant 32 : i32
          %mul3A_132 = arith.muli %sub3A_112, %mul3A_131 : i32
          %add3A_133 = arith.constant 16 : i32
          %add3A_134 = arith.addi %mul3A_132, %add3A_133 : i32
          %get3A_135 = arith.index_cast %add3A_134 : i32 to index
          %get3A_136 = tpu.vector_load %arg6[%get3A_135] {strides = array<i32>} : memref<1024xi32, #tpu.memory_space<vmem>>, vector<16xi32>,
          %add3A_137 = arith.constant 16 : i32
          %add3A_138 = vector.broadcast %add3A_137 : i32 to vector<16xi32>
          %add3A_139 = arith.addi %iota3A, %add3A_138 : vector<16xi32>
          %lt3A_140 = arith.constant 26 : i32
          %lt3A_141 = vector.broadcast %lt3A_140 : i32 to vector<16xi32>
          %lt3A_142 = arith.cmpi slt, %add3A_139, %lt3A_141 : vector<16xi32>
          %mul3A_143 = arith.constant 32 : i32
          %mul3A_144 = arith.muli %sub3A_112, %mul3A_143 : i32
          %add3A_145 = arith.constant 16 : i32
          %add3A_146 = arith.addi %mul3A_144, %add3A_145 : i32
          %get3A_147 = arith.index_cast %add3A_146 : i32 to index
          %get3A_148 = tpu.vector_load %arg7[%get3A_147] {strides = array<i32>} : memref<1024xf32, #tpu.memory_space<vmem>>, vector<16xf32>,
          tpu.vector_store_idx %arg9[%add3A_139, %get3A_136], %get3A_148 masked %lt3A_142 : memref<26x1000xf32, #tpu.memory_space<vmem>>[vector<16xi32>, vector<16xi32>], vector<16xf32>, vector<16xi1>
        } else {
        }
        %mul3A_72 = arith.constant 32 : i32
        %mul3A_73 = arith.muli %add3A_52, %mul3A_72 : i32
        %add3A_74 = arith.constant 0 : i32
        %add3A_75 = arith.addi %mul3A_73, %add3A_74 : i32
        %get3A = arith.index_cast %add3A_75 : i32 to index
        %get3A_76 = tpu.vector_load %arg6[%get3A] {strides = array<i32>} : memref<1024xi32, #tpu.memory_space<vmem>>, vector<16xi32>,
        %add3A_77 = arith.constant 0 : i32
        %add3A_78 = vector.broadcast %add3A_77 : i32 to vector<16xi32>
        %add3A_79 = arith.addi %iota3A, %add3A_78 : vector<16xi32>
        %lt3A_80 = arith.constant 26 : i32
        %lt3A_81 = vector.broadcast %lt3A_80 : i32 to vector<16xi32>
        %lt3A_82 = arith.cmpi slt, %add3A_79, %lt3A_81 : vector<16xi32>
        tpu.vector_store_idx %arg9[%add3A_79, %get3A_76], %broadcast_in_dim3A_7 masked %lt3A_82 : memref<26x1000xf32, #tpu.memory_space<vmem>>[vector<16xi32>, vector<16xi32>], vector<16xf32>, vector<16xi1>
        %mul3A_83 = arith.constant 32 : i32
        %mul3A_84 = arith.muli %add3A_52, %mul3A_83 : i32
        %add3A_85 = arith.constant 16 : i32
        %add3A_86 = arith.addi %mul3A_84, %add3A_85 : i32
        %get3A_87 = arith.index_cast %add3A_86 : i32 to index
        %get3A_88 = tpu.vector_load %arg6[%get3A_87] {strides = array<i32>} : memref<1024xi32, #tpu.memory_space<vmem>>, vector<16xi32>,
        %add3A_89 = arith.constant 16 : i32
        %add3A_90 = vector.broadcast %add3A_89 : i32 to vector<16xi32>
        %add3A_91 = arith.addi %iota3A, %add3A_90 : vector<16xi32>
        %lt3A_92 = arith.constant 26 : i32
        %lt3A_93 = vector.broadcast %lt3A_92 : i32 to vector<16xi32>
        %lt3A_94 = arith.cmpi slt, %add3A_91, %lt3A_93 : vector<16xi32>
        tpu.vector_store_idx %arg9[%add3A_91, %get3A_88], %broadcast_in_dim3A_7 masked %lt3A_94 : memref<26x1000xf32, #tpu.memory_space<vmem>>[vector<16xi32>, vector<16xi32>], vector<16xf32>, vector<16xi1>
        %dma_start3A = arith.constant 0 : i32
        %dma_start3A_95 = arith.constant 0 : i32
        %dma_start3A_96 = tpu.memref_slice %arg5[%add3A_67, %dma_start3A, %dma_start3A_95] : memref<1024x26x1000xf32, #tpu.memory_space<hbm>> -> memref<1x26x1000xf32, #tpu.memory_space<hbm>>
        %dma_start3A_97 = tpu.memref_squeeze %dma_start3A_96 : memref<1x26x1000xf32, #tpu.memory_space<hbm>> -> memref<26x1000xf32, #tpu.memory_space<hbm>>
        %dma_start3A_98 = arith.constant 0 : i32
        %dma_start3A_99 = arith.constant 0 : i32
        %dma_start3A_100 = tpu.memref_slice %arg5[%add3A_67, %dma_start3A_98, %dma_start3A_99] : memref<1024x26x1000xf32, #tpu.memory_space<hbm>> -> memref<1x26x1000xf32, #tpu.memory_space<hbm>>
        %dma_start3A_101 = tpu.memref_squeeze %dma_start3A_100 : memref<1x26x1000xf32, #tpu.memory_space<hbm>> -> memref<26x1000xf32, #tpu.memory_space<hbm>>
        tpu.enqueue_dma source(%arg9 : memref<26x1000xf32, #tpu.memory_space<vmem>>) target(%dma_start3A_101 : memref<26x1000xf32, #tpu.memory_space<hbm>>) target_semaphore(%arg12 : memref<!tpu.dma_semaphore, #tpu.memory_space<semaphore_mem>>)
      } else {
      }
      %mul3A_58 = arith.constant 3 : i32
      %mul3A_59 = arith.muli %mul3A_58, %scan3A_42 : i32
      %add3A_60 = arith.constant 2 : i32
      %add3A_61 = arith.addi %mul3A_59, %add3A_60 : i32
      %lt3A_62 = arith.constant 32 : i32
      %lt3A_63 = arith.cmpi slt, %add3A_61, %lt3A_62 : i32
      %convert_element_type3A_64 = arith.extui %lt3A_63 : i1 to i32
      %cond3A_65 = arith.constant 0 : i32
      %cond3A_66 = arith.cmpi ne, %convert_element_type3A_64, %cond3A_65 : i32
      scf.if %cond3A_66 {
        %add3A_67 = arith.addi %mul3A_2, %add3A_61 : i32
        %ge3A = arith.constant 3 : i32
        %ge3A_68 = arith.cmpi sge, %add3A_61, %ge3A : i32
        %convert_element_type3A_69 = arith.extui %ge3A_68 : i1 to i32
        %cond3A_70 = arith.constant 0 : i32
        %cond3A_71 = arith.cmpi ne, %convert_element_type3A_69, %cond3A_70 : i32
        scf.if %cond3A_71 {
          %sub3A = arith.constant 3 : i32
          %sub3A_102 = arith.subi %add3A_67, %sub3A : i32
          %dma_wait3A_103 = arith.constant 0 : i32
          %dma_wait3A_104 = arith.constant 0 : i32
          %dma_wait3A_105 = tpu.memref_slice %arg5[%sub3A_102, %dma_wait3A_103, %dma_wait3A_104] : memref<1024x26x1000xf32, #tpu.memory_space<hbm>> -> memref<1x26x1000xf32, #tpu.memory_space<hbm>>
          %dma_wait3A_106 = tpu.memref_squeeze %dma_wait3A_105 : memref<1x26x1000xf32, #tpu.memory_space<hbm>> -> memref<26x1000xf32, #tpu.memory_space<hbm>>
          %dma_wait3A_107 = arith.constant 0 : i32
          %dma_wait3A_108 = arith.constant 0 : i32
          %dma_wait3A_109 = tpu.memref_slice %arg5[%sub3A_102, %dma_wait3A_107, %dma_wait3A_108] : memref<1024x26x1000xf32, #tpu.memory_space<hbm>> -> memref<1x26x1000xf32, #tpu.memory_space<hbm>>
          %dma_wait3A_110 = tpu.memref_squeeze %dma_wait3A_109 : memref<1x26x1000xf32, #tpu.memory_space<hbm>> -> memref<26x1000xf32, #tpu.memory_space<hbm>>
          tpu.wait_dma2 semaphore(%arg13 : memref<!tpu.dma_semaphore, #tpu.memory_space<semaphore_mem>>) src(%arg10 : memref<26x1000xf32, #tpu.memory_space<vmem>>) dst(%dma_wait3A_110 : memref<26x1000xf32, #tpu.memory_space<hbm>>)
          %sub3A_111 = arith.constant 3 : i32
          %sub3A_112 = arith.subi %add3A_61, %sub3A_111 : i32
          %mul3A_113 = arith.constant 32 : i32
          %mul3A_114 = arith.muli %sub3A_112, %mul3A_113 : i32
          %add3A_115 = arith.constant 0 : i32
          %add3A_116 = arith.addi %mul3A_114, %add3A_115 : i32
          %get3A_117 = arith.index_cast %add3A_116 : i32 to index
          %get3A_118 = tpu.vector_load %arg6[%get3A_117] {strides = array<i32>} : memref<1024xi32, #tpu.memory_space<vmem>>, vector<16xi32>,
          %add3A_119 = arith.constant 0 : i32
          %add3A_120 = vector.broadcast %add3A_119 : i32 to vector<16xi32>
          %add3A_121 = arith.addi %iota3A, %add3A_120 : vector<16xi32>
          %lt3A_122 = arith.constant 26 : i32
          %lt3A_123 = vector.broadcast %lt3A_122 : i32 to vector<16xi32>
          %lt3A_124 = arith.cmpi slt, %add3A_121, %lt3A_123 : vector<16xi32>
          %mul3A_125 = arith.constant 32 : i32
          %mul3A_126 = arith.muli %sub3A_112, %mul3A_125 : i32
          %add3A_127 = arith.constant 0 : i32
          %add3A_128 = arith.addi %mul3A_126, %add3A_127 : i32
          %get3A_129 = arith.index_cast %add3A_128 : i32 to index
          %get3A_130 = tpu.vector_load %arg7[%get3A_129] {strides = array<i32>} : memref<1024xf32, #tpu.memory_space<vmem>>, vector<16xf32>,
          tpu.vector_store_idx %arg10[%add3A_121, %get3A_118], %get3A_130 masked %lt3A_124 : memref<26x1000xf32, #tpu.memory_space<vmem>>[vector<16xi32>, vector<16xi32>], vector<16xf32>, vector<16xi1>
          %mul3A_131 = arith.constant 32 : i32
          %mul3A_132 = arith.muli %sub3A_112, %mul3A_131 : i32
          %add3A_133 = arith.constant 16 : i32
          %add3A_134 = arith.addi %mul3A_132, %add3A_133 : i32
          %get3A_135 = arith.index_cast %add3A_134 : i32 to index
          %get3A_136 = tpu.vector_load %arg6[%get3A_135] {strides = array<i32>} : memref<1024xi32, #tpu.memory_space<vmem>>, vector<16xi32>,
          %add3A_137 = arith.constant 16 : i32
          %add3A_138 = vector.broadcast %add3A_137 : i32 to vector<16xi32>
          %add3A_139 = arith.addi %iota3A, %add3A_138 : vector<16xi32>
          %lt3A_140 = arith.constant 26 : i32
          %lt3A_141 = vector.broadcast %lt3A_140 : i32 to vector<16xi32>
          %lt3A_142 = arith.cmpi slt, %add3A_139, %lt3A_141 : vector<16xi32>
          %mul3A_143 = arith.constant 32 : i32
          %mul3A_144 = arith.muli %sub3A_112, %mul3A_143 : i32
          %add3A_145 = arith.constant 16 : i32
          %add3A_146 = arith.addi %mul3A_144, %add3A_145 : i32
          %get3A_147 = arith.index_cast %add3A_146 : i32 to index
          %get3A_148 = tpu.vector_load %arg7[%get3A_147] {strides = array<i32>} : memref<1024xf32, #tpu.memory_space<vmem>>, vector<16xf32>,
          tpu.vector_store_idx %arg10[%add3A_139, %get3A_136], %get3A_148 masked %lt3A_142 : memref<26x1000xf32, #tpu.memory_space<vmem>>[vector<16xi32>, vector<16xi32>], vector<16xf32>, vector<16xi1>
        } else {
        }
        %mul3A_72 = arith.constant 32 : i32
        %mul3A_73 = arith.muli %add3A_61, %mul3A_72 : i32
        %add3A_74 = arith.constant 0 : i32
        %add3A_75 = arith.addi %mul3A_73, %add3A_74 : i32
        %get3A = arith.index_cast %add3A_75 : i32 to index
        %get3A_76 = tpu.vector_load %arg6[%get3A] {strides = array<i32>} : memref<1024xi32, #tpu.memory_space<vmem>>, vector<16xi32>,
        %add3A_77 = arith.constant 0 : i32
        %add3A_78 = vector.broadcast %add3A_77 : i32 to vector<16xi32>
        %add3A_79 = arith.addi %iota3A, %add3A_78 : vector<16xi32>
        %lt3A_80 = arith.constant 26 : i32
        %lt3A_81 = vector.broadcast %lt3A_80 : i32 to vector<16xi32>
        %lt3A_82 = arith.cmpi slt, %add3A_79, %lt3A_81 : vector<16xi32>
        tpu.vector_store_idx %arg10[%add3A_79, %get3A_76], %broadcast_in_dim3A_7 masked %lt3A_82 : memref<26x1000xf32, #tpu.memory_space<vmem>>[vector<16xi32>, vector<16xi32>], vector<16xf32>, vector<16xi1>
        %mul3A_83 = arith.constant 32 : i32
        %mul3A_84 = arith.muli %add3A_61, %mul3A_83 : i32
        %add3A_85 = arith.constant 16 : i32
        %add3A_86 = arith.addi %mul3A_84, %add3A_85 : i32
        %get3A_87 = arith.index_cast %add3A_86 : i32 to index
        %get3A_88 = tpu.vector_load %arg6[%get3A_87] {strides = array<i32>} : memref<1024xi32, #tpu.memory_space<vmem>>, vector<16xi32>,
        %add3A_89 = arith.constant 16 : i32
        %add3A_90 = vector.broadcast %add3A_89 : i32 to vector<16xi32>
        %add3A_91 = arith.addi %iota3A, %add3A_90 : vector<16xi32>
        %lt3A_92 = arith.constant 26 : i32
        %lt3A_93 = vector.broadcast %lt3A_92 : i32 to vector<16xi32>
        %lt3A_94 = arith.cmpi slt, %add3A_91, %lt3A_93 : vector<16xi32>
        tpu.vector_store_idx %arg10[%add3A_91, %get3A_88], %broadcast_in_dim3A_7 masked %lt3A_94 : memref<26x1000xf32, #tpu.memory_space<vmem>>[vector<16xi32>, vector<16xi32>], vector<16xf32>, vector<16xi1>
        %dma_start3A = arith.constant 0 : i32
        %dma_start3A_95 = arith.constant 0 : i32
        %dma_start3A_96 = tpu.memref_slice %arg5[%add3A_67, %dma_start3A, %dma_start3A_95] : memref<1024x26x1000xf32, #tpu.memory_space<hbm>> -> memref<1x26x1000xf32, #tpu.memory_space<hbm>>
        %dma_start3A_97 = tpu.memref_squeeze %dma_start3A_96 : memref<1x26x1000xf32, #tpu.memory_space<hbm>> -> memref<26x1000xf32, #tpu.memory_space<hbm>>
        %dma_start3A_98 = arith.constant 0 : i32
        %dma_start3A_99 = arith.constant 0 : i32
        %dma_start3A_100 = tpu.memref_slice %arg5[%add3A_67, %dma_start3A_98, %dma_start3A_99] : memref<1024x26x1000xf32, #tpu.memory_space<hbm>> -> memref<1x26x1000xf32, #tpu.memory_space<hbm>>
        %dma_start3A_101 = tpu.memref_squeeze %dma_start3A_100 : memref<1x26x1000xf32, #tpu.memory_space<hbm>> -> memref<26x1000xf32, #tpu.memory_space<hbm>>
        tpu.enqueue_dma source(%arg10 : memref<26x1000xf32, #tpu.memory_space<vmem>>) target(%dma_start3A_101 : memref<26x1000xf32, #tpu.memory_space<hbm>>) target_semaphore(%arg13 : memref<!tpu.dma_semaphore, #tpu.memory_space<semaphore_mem>>)
      } else {
      }
    }
    %scan3A_12 = arith.constant 11 : i32
    %add3A_13 = arith.constant 29 : i32
    %add3A_14 = arith.addi %mul3A_2, %add3A_13 : i32
    %dma_wait3A = arith.constant 0 : i32
    %dma_wait3A_15 = arith.constant 0 : i32
    %dma_wait3A_16 = tpu.memref_slice %arg5[%add3A_14, %dma_wait3A, %dma_wait3A_15] : memref<1024x26x1000xf32, #tpu.memory_space<hbm>> -> memref<1x26x1000xf32, #tpu.memory_space<hbm>>
    %dma_wait3A_17 = tpu.memref_squeeze %dma_wait3A_16 : memref<1x26x1000xf32, #tpu.memory_space<hbm>> -> memref<26x1000xf32, #tpu.memory_space<hbm>>
    %dma_wait3A_18 = arith.constant 0 : i32
    %dma_wait3A_19 = arith.constant 0 : i32
    %dma_wait3A_20 = tpu.memref_slice %arg5[%add3A_14, %dma_wait3A_18, %dma_wait3A_19] : memref<1024x26x1000xf32, #tpu.memory_space<hbm>> -> memref<1x26x1000xf32, #tpu.memory_space<hbm>>
    %dma_wait3A_21 = tpu.memref_squeeze %dma_wait3A_20 : memref<1x26x1000xf32, #tpu.memory_space<hbm>> -> memref<26x1000xf32, #tpu.memory_space<hbm>>
    tpu.wait_dma2 semaphore(%arg13 : memref<!tpu.dma_semaphore, #tpu.memory_space<semaphore_mem>>) src(%arg10 : memref<26x1000xf32, #tpu.memory_space<vmem>>) dst(%dma_wait3A_21 : memref<26x1000xf32, #tpu.memory_space<hbm>>)
    %add3A_22 = arith.constant 30 : i32
    %add3A_23 = arith.addi %mul3A_2, %add3A_22 : i32
    %dma_wait3A_24 = arith.constant 0 : i32
    %dma_wait3A_25 = arith.constant 0 : i32
    %dma_wait3A_26 = tpu.memref_slice %arg5[%add3A_23, %dma_wait3A_24, %dma_wait3A_25] : memref<1024x26x1000xf32, #tpu.memory_space<hbm>> -> memref<1x26x1000xf32, #tpu.memory_space<hbm>>
    %dma_wait3A_27 = tpu.memref_squeeze %dma_wait3A_26 : memref<1x26x1000xf32, #tpu.memory_space<hbm>> -> memref<26x1000xf32, #tpu.memory_space<hbm>>
    %dma_wait3A_28 = arith.constant 0 : i32
    %dma_wait3A_29 = arith.constant 0 : i32
    %dma_wait3A_30 = tpu.memref_slice %arg5[%add3A_23, %dma_wait3A_28, %dma_wait3A_29] : memref<1024x26x1000xf32, #tpu.memory_space<hbm>> -> memref<1x26x1000xf32, #tpu.memory_space<hbm>>
    %dma_wait3A_31 = tpu.memref_squeeze %dma_wait3A_30 : memref<1x26x1000xf32, #tpu.memory_space<hbm>> -> memref<26x1000xf32, #tpu.memory_space<hbm>>
    tpu.wait_dma2 semaphore(%arg11 : memref<!tpu.dma_semaphore, #tpu.memory_space<semaphore_mem>>) src(%arg8 : memref<26x1000xf32, #tpu.memory_space<vmem>>) dst(%dma_wait3A_31 : memref<26x1000xf32, #tpu.memory_space<hbm>>)
    %add3A_32 = arith.constant 31 : i32
    %add3A_33 = arith.addi %mul3A_2, %add3A_32 : i32
    %dma_wait3A_34 = arith.constant 0 : i32
    %dma_wait3A_35 = arith.constant 0 : i32
    %dma_wait3A_36 = tpu.memref_slice %arg5[%add3A_33, %dma_wait3A_34, %dma_wait3A_35] : memref<1024x26x1000xf32, #tpu.memory_space<hbm>> -> memref<1x26x1000xf32, #tpu.memory_space<hbm>>
    %dma_wait3A_37 = tpu.memref_squeeze %dma_wait3A_36 : memref<1x26x1000xf32, #tpu.memory_space<hbm>> -> memref<26x1000xf32, #tpu.memory_space<hbm>>
    %dma_wait3A_38 = arith.constant 0 : i32
    %dma_wait3A_39 = arith.constant 0 : i32
    %dma_wait3A_40 = tpu.memref_slice %arg5[%add3A_33, %dma_wait3A_38, %dma_wait3A_39] : memref<1024x26x1000xf32, #tpu.memory_space<hbm>> -> memref<1x26x1000xf32, #tpu.memory_space<hbm>>
    %dma_wait3A_41 = tpu.memref_squeeze %dma_wait3A_40 : memref<1x26x1000xf32, #tpu.memory_space<hbm>> -> memref<26x1000xf32, #tpu.memory_space<hbm>>
    tpu.wait_dma2 semaphore(%arg12 : memref<!tpu.dma_semaphore, #tpu.memory_space<semaphore_mem>>) src(%arg9 : memref<26x1000xf32, #tpu.memory_space<vmem>>) dst(%dma_wait3A_41 : memref<26x1000xf32, #tpu.memory_space<hbm>>)
    return
  }
}

</mosaic_0001>

<sc_bundles>
// kernel: _run.3.cloned.1.call-start
scs
__scs_entry_jumppad:
0x0: {  	(pc) =	sbr.rel $0x88, $3  }
0x1: {  	(tag) =	ssettag $0x0;
	lr =	simm.s32 $0x1  }
0x2: {  	[smem:$0x3F9E] =	sst lr;
	_ =	strace $0xD0000000  }
0x3: {  	_ = 	snop  }
0x4: {  	_ = 	snop  }
0x5: {  	_ = 	snop  }
0x6: {  	_ = 	snop  }
0x7: {  	_ = 	snop  }
__scs_overlays_trampoline_lowered:
0x8: {  	[smem:$0x3FAD] =	sst s0  }
0x9: {  	[smem:$0x3FAE] =	sst s1  }
0xa: {  	[smem:$0x3FAF] =	sst s2  }
0xb: {  	[smem:$0x3FB0] =	sst s3  }
0xc: {  	[smem:$0x3FB1] =	sst s4  }
0xd: {  	[smem:$0x3FB2] =	sst s5  }
0xe: {  	[smem:$0x3FB3] =	sst s6  }
0xf: {  	[smem:$0x3FB4] =	sst s7  }
0x10: {  	[smem:$0x3FB5] =	sst s8  }
0x11: {  	[smem:$0x3FB6] =	sst s9;
	s0 =	simm.s32 @!p0 $0x0  }
0x12: {  	s1 =	sld [smem:$0x3F9C];
	s0 =	simm.s32 @p0 $0x1  }
0x13: {  	[smem:$0x3FB7] =	sst s0;
	s0 =	simm.s32 @!p1 $0x0  }
0x14: {  	s2 =	sld [smem:$0x3F9B];
	s0 =	simm.s32 @p1 $0x1  }
0x15: {  	[smem:$0x3FB8] =	sst s0;
	s0 =	simm.s32 @!p2 $0x0  }
0x16: {  	s3 =	sld [smem:$0x3FDB];
	s0 =	simm.s32 @p2 $0x1  }
0x17: {  	s4 =	simm.s32 $0x1BF5;
	[smem:$0x3FBA] =	sst s0  }
0x18: {  	s0 =	sld [smem:$0x3F9D];
	_ =	swait.ge [sflag:s4], $0x0  }
0x19: {  	s7 =	sld [smem:$0x3F9E]  }
0x1a: {  	s8 =	sadd.s32 $0xFFFFE003, lr  }
0x1b: {  	s9 =	sadd.s32 $0xFFFFFEF7, lr;
	s5 =	simm.s32 $0xFFFFFFFF;
	p2 =	slt.u32 s8, $0xFFFFF086  }
0x1c: {  	p1 =	slt.u32 s9, $0xF7A;
	s5 =	simm.s32 @!p2 $0x0  }
0x1d: {  	s5 =	simm.s32 @p1 $0x1;
	p0 =	seq.s32 s7, s2  }
0x1e: {  	s7 =	smul.u32 @!p0 $0xF7A, s2;
	p2 =	seq.s32 @!p0 s5, $0x0  }
0x1f: {  	s9 =	smul.u32 $0xF7A, s1;
	s8 =	simm.s32 @!p0 $0x1BF5;
	p2 =	por !p2, p0  }
0x20: {  	[sflag:s8] =	ssyncset.s32 @!p0 $0xFFFFF086;
	s6 =	sadd.s32 @!p0 s3, s7;
	s7 =	simm.s32 @!p0 $0x108  }
0x21: {  	s3 =	sadd.s32 s3, s9;
	s6 =	sadd.s32 @!p0 $0x88, s6;
	s7 =	simm.s32 @p2 $0x1082  }
0x22: {  	[simem:s7], [sflag:s8] =	dma.local @!p0 [hbm:s6], $0xF7A  }
0x23: {  	s9 =	sor.u32 $0xD0000000, s2;
	s6 =	simm.s32 $0x108;
	_ =	swait.ge @!p0 [sflag:s8], $0x0  }
0x24: {  	s3 =	sadd.s32 $0x88, s3;
	s6 =	simm.s32 @!p1 $0x1082;
	[sflag:s4] =	ssyncset.s32 $0xFFFFF086  }
0x25: {  	[simem:s6], [sflag:s4] =	dma.local [hbm:s3], $0xF7A  }
0x26: {  	[smem:$0x3F9E] =	sst s1;
	(tag) =	ssettag s2;
	_ =	strace s9  }
0x27: {  	s1 =	sld [smem:$0x3FAE]  }
0x28: {  	s2 =	sld [smem:$0x3FAF]  }
0x29: {  	s4 =	sld [smem:$0x3FB1]  }
0x2a: {  	p0 =	seq.s32 s5, $0x0;
	s5 =	sld [smem:$0x3FB2]  }
0x2b: {  	s6 =	sld [smem:$0x3FB3]  }
0x2c: {  	s7 =	sld [smem:$0x3FB4]  }
0x2d: {  	s3 =	simm.s32 $0x108;
	s8 =	sld [smem:$0x3FB5]  }
0x2e: {  	s3 =	simm.s32 @!p0 $0x1082;
	s9 =	sld [smem:$0x3FB6]  }
0x2f: {  	lr =	sadd.s32 s0, s3;
	s0 =	sld [smem:$0x3FAD]  }
0x30: {  	s3 =	sld [smem:$0x3FB0]  }
0x31: {  	[smem:$0x3FB9] =	sst s10  }
0x32: {  	s10 =	sld [smem:$0x3FB7];
	_ =	sdelay $0x3  }
0x33: {  	p0 =	seq.s32 s10, $0x1;
	s10 =	sld [smem:$0x3FB9];
	_ =	sdelay $0x3  }
0x34: {  	[smem:$0x3FB9] =	sst s10  }
0x35: {  	s10 =	sld [smem:$0x3FB8];
	_ =	sdelay $0x3  }
0x36: {  	p1 =	seq.s32 s10, $0x1;
	s10 =	sld [smem:$0x3FB9];
	_ =	sdelay $0x3  }
0x37: {  	[smem:$0x3FB9] =	sst s10  }
0x38: {  	s10 =	sld [smem:$0x3FBA]  }
0x39: {  	_ = 	snop;
	(pc) =	sbr.ind lr, $3  }
0x3a: {  	_ = 	snop  }
0x3b: {  	_ = 	snop  }
0x3c: {  	p2 =	seq.s32 s10, $0x1;
	s10 =	sld [smem:$0x3FB9]  }
0x3d: {  	_ =	shalt  }
0x3e: {  	_ =	shalt  }
0x3f: {  	_ =	shalt  }
0x40: {  	_ =	shalt  }
0x41: {  	_ =	shalt  }
0x42: {  	_ =	shalt  }
0x43: {  	_ =	shalt  }
0x44: {  	_ =	shalt  }
0x45: {  	_ =	shalt  }
0x46: {  	_ =	shalt  }
0x47: {  	_ =	shalt  }
0x48: {  	_ =	shalt  }
0x49: {  	_ =	shalt  }
0x4a: {  	_ =	shalt  }
0x4b: {  	_ =	shalt  }
0x4c: {  	_ =	shalt  }
0x4d: {  	_ =	shalt  }
0x4e: {  	_ =	shalt  }
0x4f: {  	_ =	shalt  }
0x50: {  	_ =	shalt  }
0x51: {  	_ =	shalt  }
0x52: {  	_ =	shalt  }
0x53: {  	_ =	shalt  }
0x54: {  	_ =	shalt  }
0x55: {  	_ =	shalt  }
0x56: {  	_ =	shalt  }
0x57: {  	_ =	shalt  }
0x58: {  	_ =	shalt  }
0x59: {  	_ =	shalt  }
0x5a: {  	_ =	shalt  }
0x5b: {  	_ =	shalt  }
0x5c: {  	_ =	shalt  }
0x5d: {  	_ =	shalt  }
0x5e: {  	_ =	shalt  }
0x5f: {  	_ =	shalt  }
0x60: {  	_ =	shalt  }
0x61: {  	_ =	shalt  }
0x62: {  	_ =	shalt  }
0x63: {  	_ =	shalt  }
0x64: {  	_ =	shalt  }
0x65: {  	_ =	shalt  }
0x66: {  	_ =	shalt  }
0x67: {  	_ =	shalt  }
0x68: {  	_ =	shalt  }
0x69: {  	_ =	shalt  }
0x6a: {  	_ =	shalt  }
0x6b: {  	_ =	shalt  }
0x6c: {  	_ =	shalt  }
0x6d: {  	_ =	shalt  }
0x6e: {  	_ =	shalt  }
0x6f: {  	_ =	shalt  }
0x70: {  	_ =	shalt  }
0x71: {  	_ =	shalt  }
0x72: {  	_ =	shalt  }
0x73: {  	_ =	shalt  }
0x74: {  	_ =	shalt  }
0x75: {  	_ =	shalt  }
0x76: {  	_ =	shalt  }
0x77: {  	_ =	shalt  }
0x78: {  	_ =	shalt  }
0x79: {  	_ =	shalt  }
0x7a: {  	_ =	shalt  }
0x7b: {  	_ =	shalt  }
0x7c: {  	_ =	shalt  }
0x7d: {  	_ =	shalt  }
0x7e: {  	_ =	shalt  }
0x7f: {  	_ =	shalt  }
0x80: {  	_ =	shalt  }
0x81: {  	_ =	shalt  }
0x82: {  	_ =	shalt  }
0x83: {  	_ =	shalt  }
0x84: {  	_ =	shalt  }
0x85: {  	_ =	shalt  }
0x86: {  	_ =	shalt  }
0x87: {  	_ =	shalt  }
.Lfunc_end0:
.L_simem_size_0:
called_computation_lowered:
.L_overlay_start_0:
0x88: {  	s2 =	sld [smem:$0x3FD9]  }
0x89: {  	s3 =	sld [smem:$0x3FFE];
	_ =	sdelay $0x1  }
0x8a: {  	s1 =	srdreg.scid  }
0x8b: {  	s0 =	sand.u32 $0x1, s1  }
0x8c: {  	s17 =	sshll.u32 s0, $0xA;
	s2 =	sadd.s32 s3, s2  }
0x8d: {  	s2 =	sadd.s32 s2, s17  }
0x8e: {  	[smem:$0x3FC5] =	sst s2  }
0x8f: {  	_ = 	snop  }
0x90: {  	s2 =	sld [smem:$0x3FC9]  }
0x91: {  	s18 =	sld [smem:$0x3FC8]  }
0x92: {  	s4 =	sld [smem:$0x3FC7];
	(tm) =	ssettm $0x1  }
0x93: {  	s5 =	sld [smem:$0x3FFB];
	_ =	sdelay $0x3  }
0x94: {  	_ =	strace s5  }
0x95: {  	s5 =	sld [smem:$0x3FFC];
	_ =	sdelay $0x3  }
0x96: {  	_ =	strace s5  }
0x97: {  	s5 =	sld [smem:$0x3FFD];
	_ =	sdelay $0x3  }
0x98: {  	_ =	strace s5  }
0x99: {  	_ =	strace $0x8FFFFFFF  }
0x9a: {  	s19 =	sld [smem:$0x3FDB];
	_ =	sdelay $0x1  }
0x9b: {  	s6 =	simm.s32 $_scs_section_size  }
0x9c: {  	s7 =	simm.s32 $_size__tile_overlayer_lowered;
	s8 =	simm.s32 $_tile_overlayer_lowered  }
0x9d: {  	s22 =	simm.s32 $0x1BFF;
	s21 =	sshll.u32 s8, $0x1;
	s5 =	sadd.s32 s6, s19  }
0x9e: {  	s9 =	simm.s32 $0x0;
	s20 =	sshll.u32 s7, $0x1;
	s7 =	sadd.s32 s21, s5  }
0x9f: {  	[timem:s9], [sflag:s22] =	dma.local [hbm:s7], s20  }
0xa0: {  	_ =	swait.ge [sflag:s22], s20  }
0xa1: {  	s6 =	ssub.s32 $0x0, s20;
	[sflag:s22] =	ssyncset.done $0x0  }
0xa2: {  	[sflag:s22] =	ssyncadd.s32 s6;
	_ =	sdelay $0x1  }
0xa3: {  	s23 =	simm.s32 $0x1B8B  }
0xa4: {  	_ =	swait.ge [sflag:s23], $0x1  }
0xa5: {  	[sflag:s23] =	ssyncset.done $0x0  }
0xa6: {  	s25 =	simm.s32 $0x1B8E;
	s24 =	sld [smem:$0x3FFE];
	[sflag:s23] =	ssyncadd.s32 $0xFFFFFFFF  }
0xa7: {  	s26 =	simm.s32 $execute0_lowered;
	[smem:$0x3FD2] =	sst s25  }
0xa8: {  	s7 =	sshll.u32 s26, $0x1;
	_ =	strace $0x80000046;
	[dreg:$0x1] =	wrdreg $0xFFFFFFFF  }
0xa9: {  	s28 =	simm.s32 $_size_execute0_lowered;
	s5 =	sadd.s32 s5, s7;
	[dreg:$0x0] =	wrdreg $0x0  }
0xaa: {  	s7 =	sshll.u32 s28, $0x1;
	[dreg:$0x2] =	wrdreg s5  }
0xab: {  	[dreg:$0x3] =	wrdreg s7  }
0xac: {  	[dreg:$0x4] =	wrdreg $0xC0  }
0xad: {  	_ =	task [dreg:s9], $0x5FFFF  }
0xae: {  	[dreg:$0x1] =	wrdreg $0xFFFFFFFF  }
0xaf: {  	[dreg:$0x0] =	wrdreg $0x60  }
0xb0: {  	[dreg:$0x2] =	wrdreg s2  }
0xb1: {  	[dreg:$0x3] =	wrdreg s18  }
0xb2: {  	[dreg:$0x4] =	wrdreg s4  }
0xb3: {  	[dreg:$0x5] =	wrdreg s24  }
0xb4: {  	[dreg:$0x6] =	wrdreg $0x9  }
0xb5: {  	_ =	task.clear_ibuf [dreg:s9], $0x7FFFF;
	_ =	strace $0x90000046  }
0xb6: {  	s29 =	simm.s32 $0x9;
	_ =	strace $0x80000048  }
0xb7: {  	_ =	swait.ge [sflag:s29], $0x1  }
0xb8: {  	[sflag:s29] =	ssyncadd.s32 $0xFFFFFFFF  }
0xb9: {  	_ =	strace $0x90000048  }
0xba: {  	_ =	sfence  }
0xbb: {  	s30 =	sld [smem:$0x0];
	_ =	sdelay $0x2  }
0xbc: {  	s31 =	sshll.u32 s1, $0xD;
	s1 =	sshrl.u32 s1, $0x2  }
0xbd: {  	s3 =	sand.u32 $0x4000, s31;
	s1 =	sadd.s32 s1, s30  }
0xbe: {  	s0 =	sor.u32 s3, s0;
	s1 =	sshll.u32 s1, $0x11  }
0xbf: {  	s0 =	sor.u32 s1, s0  }
0xc0: {  	s0 =	sadd.s32 $0x8F2B, s0  }
0xc1: {  	[sflag:s0] =	ssyncadd.remote.s32 $0x1  }
0xc2: {  	_ =	sfence.sel $0xFFFF  }
0xc3: {  	[dreg:$0x0] =	wrdreg $0xFFFFFFFF;
	(pc) =	sbr.abs _section_cstart, $3  }
0xc4: {  	[dreg:$0x1] =	wrdreg $0xFFFFFFFF  }
0xc5: {  	_ =	task.clear_ibuf [dreg:s9], $0x2FFFF;
	_ =	strace $0x9FFFFFFF  }
0xc6: {  	(tm) =	ssettm $0x7FFFFFFF  }
0xc7: {  	_ =	shalt  }
tec
execute0_lowered:
.L_overlay_start_1:
0x0: {  	(tag) =	ssettag $0x1  }
0x1: {  	v0 =	vimm.s32 $0x2380;
	vm0 =	vcmask $0x300;
	v1 =	vimm.s32 $0x6380  }
0x2: {  	s4 =	rddreg [dreg:$0x0];
	vm1 =	vcmask $0x704;
	v0 =	vsel vm0, $0x0, v0;
	v1 =	vsel vm0, $0x4000, v1  }
0x3: {  	s0 =	rddreg [dreg:$0x1];
	vm15 =	vcmask $0xB08;
	v0 =	vsel vm1, $0x80, v0;
	v1 =	vsel vm1, $0x4080, v1  }
0x4: {  	s5 =	rddreg [dreg:$0x2];
	vm4 =	vcmask $0xF0C;
	v0 =	vsel vm15, $0x100, v0;
	v1 =	vsel vm15, $0x4100, v1  }
0x5: {  	s6 =	rddreg [dreg:$0x3];
	vm5 =	vcmask $0x1310;
	v0 =	vsel vm4, $0x180, v0;
	v1 =	vsel vm4, $0x4180, v1  }
0x6: {  	s1 =	rddreg [dreg:$0x4];
	s2 =	simm.s32 $0x0;
	s3 =	srdreg.scid;
	vm6 =	vcmask $0x1714;
	v0 =	vsel vm5, $0x200, v0;
	v1 =	vsel vm5, $0x4200, v1  }
0x7: {  	vm7 =	vcmask $0x1B18;
	s13 =	simm.s32 $0x10800;
	s14 =	simm.s32 $0x3;
	s15 =	simm.s32 $0x1;
	v0 =	vsel vm6, $0x280, v0;
	v1 =	vsel vm6, $0x4280, v1  }
0x8: {  	vm8 =	vcmask $0x1F1C;
	s16 =	simm.s32 $0x2;
	s17 =	simm.s32 $0x0;
	[smem:$0x7FF] =	sst s2;
	v0 =	vsel vm7, $0x300, v0;
	v1 =	vsel vm7, $0x4300, v1  }
0x9: {  	vm9 =	vcmask $0x2320;
	s7 =	sand.u32 $0x1, s3;
	s3 =	stileid.u32;
	s12 =	sadd.s32 $0x400, s6;
	v0 =	vsel vm8, $0x380, v0;
	v1 =	vsel vm8, $0x4380, v1  }
0xa: {  	vm10 =	vcmask $0x2724;
	_ =	strace $0x80000047;
	s8 =	ssub.s32 $0x2, s7;
	s10 =	sshll.u32 s3, $0x8;
	v0 =	vsel vm9, $0x2000, v0;
	v1 =	vsel vm9, $0x6000, v1  }
0xb: {  	vm11 =	vcmask $0x2B28;
	s11 =	sshll.u32 s7, $0x7;
	s29 =	sshll.u32 s3, $0x12;
	s30 =	sshll.u32 s7, $0x11;
	v0 =	vsel vm10, $0x2080, v0;
	v1 =	vsel vm10, $0x6080, v1  }
.Ltmp0:
0xc: {  	vm12 =	vcmask $0x2F2C;
	s9 =	sshrl.u32 s8, $0x1;
	s28 =	sor.u32 s11, s10;
	v0 =	vsel vm11, $0x2100, v0;
	v1 =	vsel vm11, $0x6100, v1;
	(pc) =	sbr.rel .LBB2_1-.Ltmp0, $4  }
0xd: {  	vm13 =	vcmask $0x3330;
	s7 =	sor.u32 s30, s29;
	s31 =	sadd.s32 s29, s12;
	s10 =	simm.s32 $0x400;
	v0 =	vsel vm12, $0x2180, v0;
	v1 =	vsel vm12, $0x6180, v1  }
0xe: {  	vm14 =	vcmask $0x3734;
	s11 =	simm.s32 $0x800;
	s26 =	ssub.s32 s8, s9;
	s4 =	sadd.s32 s4, s28;
	v0 =	vsel vm13, $0x2200, v0;
	v1 =	vsel vm13, $0x6200, v1  }
0xf: {  	vm15 =	vcmask $0x3B38;
	s5 =	sadd.s32 s5, s28;
	s7 =	sadd.s32 s7, s12;
	s8 =	sadd.s32 s30, s31;
	v0 =	vsel vm14, $0x2280, v0;
	v2 =	vsel vm14, $0x6280, v1  }
0x10: {  	s9 =	simm.s32 $0x4;
	s12 =	simm.s32 $0x8800;
	s6 =	smax.u32 s26, $0x1;
	v1 =	vimm.f32 $1.000000000e+00;
	v0 =	vsel vm15, $0x2300, v0;
	v2 =	vsel vm15, $0x6300, v2  }
.LBB2_6:
0x11: {  	_ =	swait.ge [sflag:s14], $0x8000  }
0x12: {  	[sflag:s14] =	ssyncset.done $0x0  }
0x13: {  	s17 =	sadd.s32 $0x1, s17;
	[sflag:s14] =	ssyncadd.s32 $0xFFFF8000  }
0x14: {  	p0 =	sne.s32 s17, s6;
	_ =	swait.ge [sflag:s15], $0x8000  }
.Ltmp1:
0x15: {  	[sflag:s15] =	ssyncset.done $0x0;
	(pc) =	sbr.rel @!p0 .LBB2_7-.Ltmp1, $4  }
0x16: {  	[sflag:s15] =	ssyncadd.s32 $0xFFFF8000  }
0x17: {  	_ =	swait.ge [sflag:s16], $0x8000  }
0x18: {  	[sflag:s16] =	ssyncset.done $0x0  }
0x19: {  	[sflag:s16] =	ssyncadd.s32 $0xFFFF8000  }
.LBB2_1:
0x1a: {  	[tilespmem:s2], [sflag:$0x4] =	stream.linear.gather [hbm4b:s4+s2], $0x400, $0x38;
	[tilespmem:$0x18800] =	vst v63  }
0x1b: {  	_ =	swait.ge [sflag:s9], $0x400  }
0x1c: {  	[sflag:s9] =	ssyncset.done $0x0  }
0x1d: {  	[sflag:s9] =	ssyncadd.s32 $0xFFFFFC00  }
0x1e: {  	[tilespmem:s10], [sflag:$0x4] =	stream.linear.gather [hbm4b:s5+s2], $0x400, $0x38;
	[tilespmem:$0x18800] =	vst v63  }
0x1f: {  	_ =	swait.ge [sflag:s9], $0x400  }
0x20: {  	[sflag:s9] =	ssyncset.done $0x0  }
0x21: {  	[sflag:s9] =	ssyncadd.s32 $0xFFFFFC00  }
0x22: {  	[tilespmem:s11], [sflag:$0x4] =	stream.linear.gather [hbm4b:s0+s2], $0x8000, $0x38;
	[tilespmem:$0x18800] =	vst v63  }
0x23: {  	_ =	swait.ge [sflag:s9], $0x8000  }
0x24: {  	[sflag:s9] =	ssyncset.done $0x0  }
0x25: {  	[sflag:s9] =	ssyncadd.s32 $0xFFFF8000  }
0x26: {  	[tilespmem:s12], [sflag:$0x4] =	stream.linear.gather [hbm4b:s0+s2], $0x8000, $0x38;
	[tilespmem:$0x18800] =	vst v63  }
0x27: {  	_ =	swait.ge [sflag:s9], $0x8000  }
0x28: {  	[sflag:s9] =	ssyncset.done $0x0  }
.Ltmp2:
0x29: {  	[sflag:s9] =	ssyncadd.s32 $0xFFFF8000;
	(pc) =	sbr.rel .LBB2_2-.Ltmp2, $4  }
0x2a: {  	[tilespmem:s13], [sflag:$0x4] =	stream.linear.gather [hbm4b:s0+s2], $0x8000, $0x38;
	[tilespmem:$0x18800] =	vst v63  }
0x2b: {  	_ =	swait.ge [sflag:s9], $0x8000  }
0x2c: {  	s18 =	simm.s32 $0x3A0;
	s19 =	simm.s32 $0x50;
	[sflag:s9] =	ssyncset.done $0x0  }
0x2d: {  	s20 =	simm.s32 $0x0;
	s21 =	simm.s32 $0x0;
	[sflag:s9] =	ssyncadd.s32 $0xFFFF8000  }
.LBB2_5:
0x2e: {  	v3 =	vld [tilespmem:s19+$0xFFFFFFF0];
	_ =	sdelay $0x4  }
0x2f: {  	v4 =	vshll.u32 v3, $0x3  }
0x30: {  	v3 =	vand.u32 $0x7F, v3;
	v4 =	vand.u32 $0xFFFFFC00, v4  }
0x31: {  	v3 =	vor.u32 v3, v4  }
0x32: {  	v3 =	vadd.s32 v0, v3;
	_ =	sdelay $0x4  }
0x33: {  	[tilespmem:v3+s13+$0x0] =	vst.idx.msk $0xffff, v1  }
0x34: {  	v3 =	vld [tilespmem:s19+$0x0];
	_ =	sdelay $0x4  }
0x35: {  	v63 =	vshll.u32 v3, $0x3  }
0x36: {  	v3 =	vand.u32 $0x7F, v3;
	v4 =	vand.u32 $0xFFFFFC00, v63  }
0x37: {  	v3 =	vor.u32 v3, v4  }
0x38: {  	v3 =	vadd.s32 v2, v3;
	_ =	sdelay $0x3  }
0x39: {  	s22 =	sadd.s32 $0x2000, s23;
	s21 =	sadd.s32 $0x60, s21  }
0x3a: {  	s20 =	sadd.s32 $0x3000, s20;
	s18 =	sadd.s32 $0x60, s18;
	s19 =	sadd.s32 $0x60, s19;
	[tilespmem:v3+s13+$0x0] =	vst.idx.msk $0x3ff, v1  }
0x3b: {  	[hbm4b:s22+s2] =	stream.linear.scatter [tilespmem:s13], [sflag:$0x3], $0x8000, $0x38;
	[tilespmem:$0x18800] =	vst v63  }
.LBB2_2:
0x3c: {  	p0 =	seq.s32 s20, $0x0  }
0x3d: {  	_ =	swait.ge @!p0 [sflag:s15], $0x8000  }
0x3e: {  	[sflag:s15] =	ssyncset.done @!p0 $0x0  }
0x3f: {  	[sflag:s15] =	ssyncadd.s32 @!p0 $0xFFFF8000  }
0x40: {  	v3 =	vld @!p0 [tilespmem:s19+$0xFFFFFF50];
	_ =	sdelay $0x4  }
0x41: {  	v4 =	vshll.u32 @!p0 v3, $0x3  }
0x42: {  	v3 =	vand.u32 @!p0 $0x7F, v3;
	v4 =	vand.u32 @!p0 $0xFFFFFC00, v4  }
0x43: {  	v3 =	vor.u32 @!p0 v3, v4  }
0x44: {  	v4 =	vld @!p0 [tilespmem:s18+$0x0];
	v3 =	vadd.s32 @!p0 v0, v3;
	_ =	sdelay $0x4  }
0x45: {  	[tilespmem:v3+s11+$0x0] =	vst.idx.msk @!p0 $0xffff, v4  }
0x46: {  	v3 =	vld @!p0 [tilespmem:s19+$0xFFFFFF60];
	_ =	sdelay $0x4  }
0x47: {  	v4 =	vshll.u32 @!p0 v3, $0x3  }
0x48: {  	v3 =	vand.u32 @!p0 $0x7F, v3;
	v4 =	vand.u32 @!p0 $0xFFFFFC00, v4  }
0x49: {  	v3 =	vor.u32 @!p0 v3, v4  }
0x4a: {  	v4 =	vld @!p0 [tilespmem:s18+$0x10];
	v3 =	vadd.s32 @!p0 v2, v3;
	_ =	sdelay $0x3  }
0x4b: {  	s22 =	simm.s32 @p0 $0x0  }
0x4c: {  	s22 =	smov.u32 @!p0 s21;
	[tilespmem:v3+s11+$0x0] =	vst.idx.msk @!p0 $0x3ff, v4  }
0x4d: {  	v3 =	vld [tilespmem:s22+$0x0];
	_ =	sdelay $0x4  }
0x4e: {  	v60 =	vshll.u32 v3, $0x3  }
0x4f: {  	v3 =	vand.u32 $0x7F, v3;
	v4 =	vand.u32 $0xFFFFFC00, v60  }
0x50: {  	v3 =	vor.u32 v3, v4  }
0x51: {  	v3 =	vadd.s32 v0, v3;
	_ =	sdelay $0x4  }
0x52: {  	[tilespmem:v3+s11+$0x0] =	vst.idx.msk $0xffff, v1  }
0x53: {  	v3 =	vld [tilespmem:s22+$0x10];
	_ =	sdelay $0x4  }
0x54: {  	v61 =	vshll.u32 v3, $0x3  }
0x55: {  	v3 =	vand.u32 $0x7F, v3;
	v4 =	vand.u32 $0xFFFFFC00, v61  }
0x56: {  	v3 =	vor.u32 v3, v4  }
0x57: {  	v3 =	vadd.s32 v2, v3;
	_ =	sdelay $0x4  }
0x58: {  	s23 =	sadd.s32 s20, s8;
	[tilespmem:v3+s11+$0x0] =	vst.idx.msk $0x3ff, v1  }
0x59: {  	[hbm4b:s23+s2] =	stream.linear.scatter [tilespmem:s11], [sflag:$0x1], $0x8000, $0x38;
	[tilespmem:$0x18800] =	vst v63  }
0x5a: {  	_ =	swait.ge @!p0 [sflag:s16], $0x8000  }
0x5b: {  	[sflag:s16] =	ssyncset.done @!p0 $0x0  }
0x5c: {  	[sflag:s16] =	ssyncadd.s32 @!p0 $0xFFFF8000  }
0x5d: {  	v3 =	vld @!p0 [tilespmem:s22+$0xFFFFFFC0];
	_ =	sdelay $0x4  }
0x5e: {  	v4 =	vshll.u32 @!p0 v3, $0x3  }
0x5f: {  	v3 =	vand.u32 @!p0 $0x7F, v3;
	v4 =	vand.u32 @!p0 $0xFFFFFC00, v4  }
0x60: {  	v3 =	vor.u32 @!p0 v3, v4  }
0x61: {  	v4 =	vld @!p0 [tilespmem:s22+$0x3C0];
	v3 =	vadd.s32 @!p0 v0, v3;
	_ =	sdelay $0x4  }
0x62: {  	[tilespmem:v3+s12+$0x0] =	vst.idx.msk @!p0 $0xffff, v4  }
0x63: {  	v3 =	vld @!p0 [tilespmem:s22+$0xFFFFFFD0];
	_ =	sdelay $0x4  }
0x64: {  	v4 =	vshll.u32 @!p0 v3, $0x3  }
0x65: {  	v3 =	vand.u32 @!p0 $0x7F, v3;
	v4 =	vand.u32 @!p0 $0xFFFFFC00, v4  }
0x66: {  	v3 =	vor.u32 @!p0 v3, v4  }
0x67: {  	v4 =	vld @!p0 [tilespmem:s22+$0x3D0];
	v3 =	vadd.s32 @!p0 v2, v3;
	_ =	sdelay $0x4  }
0x68: {  	[tilespmem:v3+s12+$0x0] =	vst.idx.msk @!p0 $0x3ff, v4  }
0x69: {  	v3 =	vld [tilespmem:s19+$0xFFFFFFD0];
	_ =	sdelay $0x4  }
0x6a: {  	v62 =	vshll.u32 v3, $0x3  }
0x6b: {  	v3 =	vand.u32 $0x7F, v3;
	v4 =	vand.u32 $0xFFFFFC00, v62  }
0x6c: {  	v3 =	vor.u32 v3, v4  }
0x6d: {  	v3 =	vadd.s32 v0, v3;
	_ =	sdelay $0x4  }
0x6e: {  	[tilespmem:v3+s12+$0x0] =	vst.idx.msk $0xffff, v1  }
0x6f: {  	v3 =	vld [tilespmem:s19+$0xFFFFFFE0];
	_ =	sdelay $0x4  }
0x70: {  	v63 =	vshll.u32 v3, $0x3  }
0x71: {  	v3 =	vand.u32 $0x7F, v3;
	v4 =	vand.u32 $0xFFFFFC00, v63  }
0x72: {  	v3 =	vor.u32 v3, v4  }
0x73: {  	v3 =	vadd.s32 v2, v3;
	_ =	sdelay $0x1  }
.Ltmp3:
0x74: {  	_ = 	snop;
	(pc) =	sbr.rel @p0 .LBB2_5-.Ltmp3, $4  }
0x75: {  	_ = 	snop  }
0x76: {  	s23 =	sadd.s32 s20, s7  }
0x77: {  	s24 =	sadd.s32 $0x1000, s23;
	[tilespmem:v3+s12+$0x0] =	vst.idx.msk $0x3ff, v1  }
0x78: {  	[hbm4b:s24+s2] =	stream.linear.scatter [tilespmem:s12], [sflag:$0x2], $0x8000, $0x38;
	[tilespmem:$0x18800] =	vst v63  }
0x79: {  	p0 =	seq.s32 s20, $0x1E000  }
.Ltmp4:
0x7a: {  	_ = 	snop;
	(pc) =	sbr.rel @p0 .LBB2_6-.Ltmp4, $1  }
0x7b: {  	_ =	sdelay $0x3  }
0x7c: {  	_ =	swait.ge [sflag:s14], $0x8000  }
0x7d: {  	[sflag:s14] =	ssyncset.done $0x0  }
0x7e: {  	[sflag:s14] =	ssyncadd.s32 $0xFFFF8000  }
0x7f: {  	v3 =	vld [tilespmem:s22+$0xFFFFFFE0];
	_ =	sdelay $0x4  }
0x80: {  	v4 =	vshll.u32 v3, $0x3  }
0x81: {  	v3 =	vand.u32 $0x7F, v3;
	v4 =	vand.u32 $0xFFFFFC00, v4  }
0x82: {  	v3 =	vor.u32 v3, v4  }
0x83: {  	v61 =	vld [tilespmem:s22+$0x3E0];
	v3 =	vadd.s32 v0, v3;
	_ =	sdelay $0x4  }
0x84: {  	[tilespmem:v3+s13+$0x0] =	vst.idx.msk $0xffff, v61  }
0x85: {  	v3 =	vld [tilespmem:s22+$0xFFFFFFF0];
	_ =	sdelay $0x4  }
0x86: {  	v62 =	vshll.u32 v3, $0x3  }
0x87: {  	v3 =	vand.u32 $0x7F, v3;
	v4 =	vand.u32 $0xFFFFFC00, v62  }
0x88: {  	v3 =	vor.u32 v3, v4  }
0x89: {  	v63 =	vld [tilespmem:s22+$0x3F0];
	v3 =	vadd.s32 v2, v3  }
.Ltmp5:
0x8a: {  	_ = 	snop;
	(pc) =	sbr.rel .LBB2_5-.Ltmp5, $2  }
0x8b: {  	_ =	sdelay $0x2  }
0x8c: {  	[tilespmem:v3+s13+$0x0] =	vst.idx.msk $0x3ff, v63  }
.LBB2_7:
0x8d: {  	_ =	sfence.sel $0x180000  }
0x8e: {  	[bflag:$0x0] =	sbarrier.arrive $0xFFFF  }
0x8f: {  	p0 =	sne.s32 s3, $0x0;
	_ =	strace $0x90000047  }
0x90: {  	s0 =	sadd.s32 @!p0 $0x100000, s1;
	[bflag:$0x2] =	sbarrier.arrive $0xFFFF  }
0x91: {  	[sflag:s0] =	ssyncadd.tile.s32 @!p0 $0x1;
	_ =	shalt  }
.Lfunc_end2:
_tile_overlayer_lowered:
.L_overlay_start_2:
0x92: {  	(tag) =	ssettag $0x2  }
0x93: {  	s0 =	rddreg [dreg:$0x0];
	s2 =	stileid.u32  }
0x94: {  	s1 =	rddreg [dreg:$0x1];
	p0 =	sne.s32 s2, $0x0  }
0x95: {  	s3 =	rddreg [dreg:$0x2];
	[bflag:$0x3] =	sbarrier.arrive $0xFFFF;
	s2 =	simm.s32 @!p0 $0x1C04  }
0x96: {  	[timem:s3], [sflag:s2] =	dma.local @!p0 [hbm:s0], s1  }
0x97: {  	s0 =	simm.s32 @!p0 $0x4  }
0x98: {  	_ =	swait.ge @!p0 [sflag:s0], s1  }
0x99: {  	s1 =	ssub.s32 @!p0 $0x0, s1;
	[sflag:s0] =	ssyncset.done @!p0 $0x0  }
0x9a: {  	[sflag:s0] =	ssyncadd.s32 @!p0 s1  }
0x9b: {  	[bflag:$0x3] =	sbarrier.arrive $0xFFFF  }
0x9c: {  	_ =	shalt  }

</sc_bundles>
